<compile_context>
chip_gen: v7x
topology: tpu7x:2x2x1
jax: 0.10.2.dev20260603
libtpu: 0.0.44.dev20260713+nightly
codegen_flags: <defaults>
</compile_context>

<pallas_src>
import functools

import jax
import jax.numpy as jnp
from jax import lax
from jax.experimental import pallas as pl
from jax.experimental.pallas import tpu as pltpu
from jax.experimental.pallas import tpu_sc as plsc

B, L, D = 4, 2048, 768
E, K, H = 8, 2, 16
NS, LANES = 16, 16


def _moe_kernel(x_ref, w_gate_ref, expert_w_ref, expert_b_ref,
                shared_w_ref, shared_b_ref, out_ref, gates_ref):
    xb = x_ref[0]

    gx = jnp.sum(xb, axis=0, keepdims=True) * (1.0 / L)
    logits = jnp.dot(gx, w_gate_ref[...],
                     preferred_element_type=jnp.float32)

    lane = jax.lax.broadcasted_iota(jnp.int32, (1, E), 1)
    m1 = jnp.max(logits)
    i1 = jnp.min(jnp.where(logits == m1, lane, E))
    mask1 = lane == i1
    l2 = jnp.where(mask1, -jnp.inf, logits)
    m2 = jnp.max(l2)
    i2 = jnp.min(jnp.where(l2 == m2, lane, E))
    mask2 = lane == i2
    t = jnp.exp(m2 - m1)
    g1 = 1.0 / (1.0 + t)
    g2 = t / (1.0 + t)
    gates_row = jnp.where(mask1, g1, 0.0) + jnp.where(mask2, g2, 0.0)
    gates_ref[0] = jnp.concatenate(
        [gates_row, jnp.zeros((1, LANES - E), jnp.float32)], axis=1)

    m_w = shared_w_ref[...]
    bias = shared_b_ref[...]
    for e in range(E):
        ge = jnp.sum(jnp.where(lane == e, gates_row, 0.0))
        m_w = m_w + ge * expert_w_ref[e]
        bias = bias + ge * expert_b_ref[e][None, :]

    yb = jax.lax.dot_general(
        xb.astype(jnp.bfloat16), m_w.astype(jnp.bfloat16),
        (((1,), (0,)), ((), ())),
        preferred_element_type=jnp.float32)
    out_ref[0] = yb + bias


def _loss_kernel(gates_hbm, loss_hbm, gall_v, loss_v):
    wid = lax.axis_index("c") * NS + lax.axis_index("s")

    @pl.when(wid == 0)
    def _():
        pltpu.sync_copy(gates_hbm, gall_v)
        lane = lax.iota(jnp.int32, LANES)
        imp = jnp.zeros((LANES,), jnp.float32)
        ld = jnp.zeros((LANES,), jnp.float32)
        for bb in range(B):
            grow = gall_v[bb]
            imp = imp + grow
            ld = ld + jnp.where(grow > 0.0, 1.0, 0.0)
        emask = lane < E
        eps = 1e-10

        def cv2(v):
            mean = jnp.full((LANES,), jnp.sum(v) * (1.0 / E), jnp.float32)
            diff = jnp.where(emask, v - mean, 0.0)
            var = jnp.full((LANES,), jnp.sum(diff * diff) * (1.0 / (E - 1)),
                           jnp.float32)
            return var / (mean * mean + eps)

        loss_v[0] = (cv2(imp) + cv2(ld)) * 1e-2
        pltpu.sync_copy(loss_v, loss_hbm)


_loss = functools.partial(
    pl.kernel,
    out_type=jax.ShapeDtypeStruct((1, LANES), jnp.float32),
    mesh=plsc.VectorSubcoreMesh(core_axis_name="c", subcore_axis_name="s"),
    scratch_types=[
        pltpu.VMEM((B, LANES), jnp.float32),
        pltpu.VMEM((1, LANES), jnp.float32),
    ],
    compiler_params=pltpu.CompilerParams(needs_layout_passes=False),
)(_loss_kernel)


@jax.jit
def kernel(x, w_gate, expert_w, expert_b, shared_w, shared_b):
    out, gates = pl.pallas_call(
        _moe_kernel,
        grid=(B,),
        in_specs=[
            pl.BlockSpec((1, L, D), lambda b: (b, 0, 0)),
            pl.BlockSpec((D, E), lambda b: (0, 0)),
            pl.BlockSpec((E, D, H), lambda b: (0, 0, 0)),
            pl.BlockSpec((E, H), lambda b: (0, 0)),
            pl.BlockSpec((D, H), lambda b: (0, 0)),
            pl.BlockSpec((1, H), lambda b: (0, 0)),
        ],
        out_specs=[
            pl.BlockSpec((1, L, H), lambda b: (b, 0, 0)),
            pl.BlockSpec((1, 1, LANES), lambda b: (b, 0, 0)),
        ],
        out_shape=[
            jax.ShapeDtypeStruct((B, L, H), jnp.float32),
            jax.ShapeDtypeStruct((B, 1, LANES), jnp.float32),
        ],
    )(x, w_gate, expert_w, expert_b, shared_w, shared_b.reshape(1, H))

    loss = _loss(gates.reshape(B, LANES))
    return out, loss[0, 0]

# --- scband reference (transcript-rebuilt; emitter-appended) ---
"""Pipeline reference for scband-mo-e-lora-14242111553983 (READ-ONLY COPY).

The authoritative reference and input builder live on the scoring server;
editing this copy changes nothing except your own understanding.
"""

import jax, jax.numpy as jnp
import numpy as np

B, L, D = 4, 2048, 768
E, K, H = 8, 2, 16


def cv_squared(v):
    eps = 1e-10
    return jnp.var(v, ddof=1) / (jnp.mean(v) ** 2 + eps)


def setup_inputs(seed: int = 0):
    key = jax.random.key(seed)
    k0, k1, k2, k3 = jax.random.split(key, 4)
    x = jax.random.normal(k0, (B, L, D), dtype=jnp.float32)
    w_gate = jax.random.normal(k1, (D, E), dtype=jnp.float32) * 0.02
    expert_w = jax.random.normal(k2, (E, D, H), dtype=jnp.float32) * 0.02
    expert_b = jnp.zeros((E, H), dtype=jnp.float32)
    shared_w = jax.random.normal(k3, (D, H), dtype=jnp.float32) * 0.02
    shared_b = jnp.zeros((H,), dtype=jnp.float32)
    return {"x": x, "w_gate": w_gate, "expert_w": expert_w, "expert_b": expert_b,
            "shared_w": shared_w, "shared_b": shared_b}


def _topk_gates(gx, w_gate):
    # clean (non-noisy) top-k gating, eval mode
    logits = gx @ w_gate
    top_logits, top_idx = jax.lax.top_k(logits, K)
    top_gates = jax.nn.softmax(top_logits, axis=1)
    gates = jnp.zeros_like(logits).at[jnp.arange(logits.shape[0])[:, None], top_idx].set(top_gates)
    return gates


def reference(x, w_gate, expert_w, expert_b, shared_w, shared_b):
    # gating on per-example pooled tokens (batch-level dispatch as in SparseDispatcher)
    gx = jnp.mean(x, axis=1)
    gates = _topk_gates(gx, w_gate)  # [B, E]
    # dense-equivalent of dispatch/combine: sum_e gates[b,e] * expert_e(x[b])
    expert_out = jnp.einsum('bld,edh->belh', x, expert_w) + expert_b[None, :, None, :]
    y = jnp.einsum('be,belh->blh', gates, expert_out)
    shared = x @ shared_w + shared_b
    out = y + shared
    importance = gates.sum(axis=0)
    load = jnp.sum((gates > 0).astype(jnp.float32), axis=0)
    loss = (cv_squared(importance) + cv_squared(load)) * 1e-2
    return out, loss

if __name__ == "__main__":
    import jax
    _d = setup_inputs()
    print(jax.jit(kernel)(*tuple(_d.values())))

</pallas_src>

<mosaic_0001>
#map = affine_map<(d0, d1) -> (0, 0)>
module attributes {stable_mosaic.version = 14 : i64} {
  func.func @_loss_kernel(%arg0: i32, %arg1: i32, %arg2: memref<4x16xf32, #tpu.memory_space<hbm>>, %arg3: memref<1x16xf32, #tpu.memory_space<hbm>>, %arg4: memref<4x16xf32, #tpu.memory_space<vmem>>, %arg5: memref<1x16xf32, #tpu.memory_space<vmem>>) attributes {dimension_semantics = [#tpu.dimension_semantics<core_parallel>, #tpu.dimension_semantics<subcore_parallel>], iteration_bounds = array<i64: 2, 16>, scalar_prefetch = 0 : i64, scratch_operands = 2 : i64, tpu.core_type = #tpu.core_type<sc_vector_subcore>, window_params = [{transform_indices = #map}, {transform_indices = #map}]} {
    %mul3A = arith.constant 16 : i32
    %mul3A_0 = arith.muli %arg0, %mul3A : i32
    %add3A = arith.addi %mul3A_0, %arg1 : i32
    %eq3A = arith.constant 0 : i32
    %eq3A_1 = arith.cmpi eq, %add3A, %eq3A : i32
    %convert_element_type3A = arith.extui %eq3A_1 : i1 to i32
    %cond3A = arith.constant 0 : i32
    %cond3A_2 = arith.cmpi ne, %convert_element_type3A, %cond3A : i32
    scf.if %cond3A_2 {
      "tpu.region"() ({
        %run_scoped3A = tpu.sem_alloc : memref<!tpu.dma_semaphore, #tpu.memory_space<semaphore_mem>>
        tpu.enqueue_dma source(%arg2 : memref<4x16xf32, #tpu.memory_space<hbm>>) target(%arg4 : memref<4x16xf32, #tpu.memory_space<vmem>>) target_semaphore(%run_scoped3A : memref<!tpu.dma_semaphore, #tpu.memory_space<semaphore_mem>>)
        tpu.wait_dma2 semaphore(%run_scoped3A : memref<!tpu.dma_semaphore, #tpu.memory_space<semaphore_mem>>) src(%arg2 : memref<4x16xf32, #tpu.memory_space<hbm>>) dst(%arg4 : memref<4x16xf32, #tpu.memory_space<vmem>>)
        tpu.yield
      }) : () -> ()
      %iota3A = tpu.iota {dimensions = array<i32: 0>} : vector<16xi32>
      %broadcast_in_dim3A = arith.constant 0.000000e+00 : f32
      %broadcast_in_dim3A_3 = vector.broadcast %broadcast_in_dim3A : f32 to vector<16xf32>
      %broadcast_in_dim3A_4 = arith.constant 0.000000e+00 : f32
      %broadcast_in_dim3A_5 = vector.broadcast %broadcast_in_dim3A_4 : f32 to vector<16xf32>
      %get3A = arith.constant 0 : i32
      %get3A_6 = arith.index_cast %get3A : i32 to index
      %get3A_7 = arith.constant 0 : index
      %get3A_8 = tpu.vector_load %arg4[%get3A_6, %get3A_7] {strides = array<i32>} : memref<4x16xf32, #tpu.memory_space<vmem>>, vector<16xf32>,
      %add3A_9 = arith.addf %broadcast_in_dim3A_3, %get3A_8 : vector<16xf32>
      %gt3A = arith.constant 0.000000e+00 : f32
      %gt3A_10 = vector.broadcast %gt3A : f32 to vector<16xf32>
      %gt3A_11 = arith.cmpf ogt, %get3A_8, %gt3A_10 : vector<16xf32>
      %jit3A = arith.constant 1.000000e+00 : f32
      %jit3A_12 = arith.constant 0.000000e+00 : f32
      %broadcast_in_dim3A_13 = vector.broadcast %jit3A : f32 to vector<16xf32>
      %broadcast_in_dim3A_14 = vector.broadcast %jit3A_12 : f32 to vector<16xf32>
      %select_n3A = arith.select %gt3A_11, %broadcast_in_dim3A_13, %broadcast_in_dim3A_14 : vector<16xi1>, vector<16xf32>
      %add3A_15 = arith.addf %broadcast_in_dim3A_5, %select_n3A : vector<16xf32>
      %get3A_16 = arith.constant 1 : i32
      %get3A_17 = arith.index_cast %get3A_16 : i32 to index
      %get3A_18 = arith.constant 0 : index
      %get3A_19 = tpu.vector_load %arg4[%get3A_17, %get3A_18] {strides = array<i32>} : memref<4x16xf32, #tpu.memory_space<vmem>>, vector<16xf32>,
      %add3A_20 = arith.addf %add3A_9, %get3A_19 : vector<16xf32>
      %gt3A_21 = arith.constant 0.000000e+00 : f32
      %gt3A_22 = vector.broadcast %gt3A_21 : f32 to vector<16xf32>
      %gt3A_23 = arith.cmpf ogt, %get3A_19, %gt3A_22 : vector<16xf32>
      %jit3A_24 = arith.constant 1.000000e+00 : f32
      %jit3A_25 = arith.constant 0.000000e+00 : f32
      %broadcast_in_dim3A_26 = vector.broadcast %jit3A_24 : f32 to vector<16xf32>
      %broadcast_in_dim3A_27 = vector.broadcast %jit3A_25 : f32 to vector<16xf32>
      %select_n3A_28 = arith.select %gt3A_23, %broadcast_in_dim3A_26, %broadcast_in_dim3A_27 : vector<16xi1>, vector<16xf32>
      %add3A_29 = arith.addf %add3A_15, %select_n3A_28 : vector<16xf32>
      %get3A_30 = arith.constant 2 : i32
      %get3A_31 = arith.index_cast %get3A_30 : i32 to index
      %get3A_32 = arith.constant 0 : index
      %get3A_33 = tpu.vector_load %arg4[%get3A_31, %get3A_32] {strides = array<i32>} : memref<4x16xf32, #tpu.memory_space<vmem>>, vector<16xf32>,
      %add3A_34 = arith.addf %add3A_20, %get3A_33 : vector<16xf32>
      %gt3A_35 = arith.constant 0.000000e+00 : f32
      %gt3A_36 = vector.broadcast %gt3A_35 : f32 to vector<16xf32>
      %gt3A_37 = arith.cmpf ogt, %get3A_33, %gt3A_36 : vector<16xf32>
      %jit3A_38 = arith.constant 1.000000e+00 : f32
      %jit3A_39 = arith.constant 0.000000e+00 : f32
      %broadcast_in_dim3A_40 = vector.broadcast %jit3A_38 : f32 to vector<16xf32>
      %broadcast_in_dim3A_41 = vector.broadcast %jit3A_39 : f32 to vector<16xf32>
      %select_n3A_42 = arith.select %gt3A_37, %broadcast_in_dim3A_40, %broadcast_in_dim3A_41 : vector<16xi1>, vector<16xf32>
      %add3A_43 = arith.addf %add3A_29, %select_n3A_42 : vector<16xf32>
      %get3A_44 = arith.constant 3 : i32
      %get3A_45 = arith.index_cast %get3A_44 : i32 to index
      %get3A_46 = arith.constant 0 : index
      %get3A_47 = tpu.vector_load %arg4[%get3A_45, %get3A_46] {strides = array<i32>} : memref<4x16xf32, #tpu.memory_space<vmem>>, vector<16xf32>,
      %add3A_48 = arith.addf %add3A_34, %get3A_47 : vector<16xf32>
      %gt3A_49 = arith.constant 0.000000e+00 : f32
      %gt3A_50 = vector.broadcast %gt3A_49 : f32 to vector<16xf32>
      %gt3A_51 = arith.cmpf ogt, %get3A_47, %gt3A_50 : vector<16xf32>
      %jit3A_52 = arith.constant 1.000000e+00 : f32
      %jit3A_53 = arith.constant 0.000000e+00 : f32
      %broadcast_in_dim3A_54 = vector.broadcast %jit3A_52 : f32 to vector<16xf32>
      %broadcast_in_dim3A_55 = vector.broadcast %jit3A_53 : f32 to vector<16xf32>
      %select_n3A_56 = arith.select %gt3A_51, %broadcast_in_dim3A_54, %broadcast_in_dim3A_55 : vector<16xi1>, vector<16xf32>
      %add3A_57 = arith.addf %add3A_43, %select_n3A_56 : vector<16xf32>
      %lt3A = arith.constant 8 : i32
      %lt3A_58 = vector.broadcast %lt3A : i32 to vector<16xi32>
      %lt3A_59 = arith.cmpi slt, %iota3A, %lt3A_58 : vector<16xi32>
      %reduce_sum3A = arith.constant true
      %reduce_sum3A_60 = vector.broadcast %reduce_sum3A : i1 to vector<16xi1>
      %reduce_sum3A_61 = tpu.scan <sum>, %add3A_48 masked %reduce_sum3A_60 : vector<16xf32>, vector<16xi1> -> vector<16xf32>
      %reduce_sum3A_62 = vector.extract %reduce_sum3A_61[15] : f32 from vector<16xf32>
      %mul3A_63 = arith.constant 1.250000e-01 : f32
      %mul3A_64 = arith.mulf %reduce_sum3A_62, %mul3A_63 : f32
      %broadcast_in_dim3A_65 = vector.broadcast %mul3A_64 : f32 to vector<16xf32>
      %sub3A = arith.subf %add3A_48, %broadcast_in_dim3A_65 : vector<16xf32>
      %jit3A_66 = arith.constant 0.000000e+00 : f32
      %broadcast_in_dim3A_67 = vector.broadcast %jit3A_66 : f32 to vector<16xf32>
      %select_n3A_68 = arith.select %lt3A_59, %sub3A, %broadcast_in_dim3A_67 : vector<16xi1>, vector<16xf32>
      %mul3A_69 = arith.mulf %select_n3A_68, %select_n3A_68 : vector<16xf32>
      %reduce_sum3A_70 = arith.constant true
      %reduce_sum3A_71 = vector.broadcast %reduce_sum3A_70 : i1 to vector<16xi1>
      %reduce_sum3A_72 = tpu.scan <sum>, %mul3A_69 masked %reduce_sum3A_71 : vector<16xf32>, vector<16xi1> -> vector<16xf32>
      %reduce_sum3A_73 = vector.extract %reduce_sum3A_72[15] : f32 from vector<16xf32>
      %mul3A_74 = arith.constant 0.142857149 : f32
      %mul3A_75 = arith.mulf %reduce_sum3A_73, %mul3A_74 : f32
      %broadcast_in_dim3A_76 = vector.broadcast %mul3A_75 : f32 to vector<16xf32>
      %mul3A_77 = arith.mulf %broadcast_in_dim3A_65, %broadcast_in_dim3A_65 : vector<16xf32>
      %add3A_78 = arith.constant 1.000000e-10 : f32
      %add3A_79 = vector.broadcast %add3A_78 : f32 to vector<16xf32>
      %add3A_80 = arith.addf %mul3A_77, %add3A_79 : vector<16xf32>
      %div3A = arith.divf %broadcast_in_dim3A_76, %add3A_80 : vector<16xf32>
      %reduce_sum3A_81 = arith.constant true
      %reduce_sum3A_82 = vector.broadcast %reduce_sum3A_81 : i1 to vector<16xi1>
      %reduce_sum3A_83 = tpu.scan <sum>, %add3A_57 masked %reduce_sum3A_82 : vector<16xf32>, vector<16xi1> -> vector<16xf32>
      %reduce_sum3A_84 = vector.extract %reduce_sum3A_83[15] : f32 from vector<16xf32>
      %mul3A_85 = arith.constant 1.250000e-01 : f32
      %mul3A_86 = arith.mulf %reduce_sum3A_84, %mul3A_85 : f32
      %broadcast_in_dim3A_87 = vector.broadcast %mul3A_86 : f32 to vector<16xf32>
      %sub3A_88 = arith.subf %add3A_57, %broadcast_in_dim3A_87 : vector<16xf32>
      %jit3A_89 = arith.constant 0.000000e+00 : f32
      %broadcast_in_dim3A_90 = vector.broadcast %jit3A_89 : f32 to vector<16xf32>
      %select_n3A_91 = arith.select %lt3A_59, %sub3A_88, %broadcast_in_dim3A_90 : vector<16xi1>, vector<16xf32>
      %mul3A_92 = arith.mulf %select_n3A_91, %select_n3A_91 : vector<16xf32>
      %reduce_sum3A_93 = arith.constant true
      %reduce_sum3A_94 = vector.broadcast %reduce_sum3A_93 : i1 to vector<16xi1>
      %reduce_sum3A_95 = tpu.scan <sum>, %mul3A_92 masked %reduce_sum3A_94 : vector<16xf32>, vector<16xi1> -> vector<16xf32>
      %reduce_sum3A_96 = vector.extract %reduce_sum3A_95[15] : f32 from vector<16xf32>
      %mul3A_97 = arith.constant 0.142857149 : f32
      %mul3A_98 = arith.mulf %reduce_sum3A_96, %mul3A_97 : f32
      %broadcast_in_dim3A_99 = vector.broadcast %mul3A_98 : f32 to vector<16xf32>
      %mul3A_100 = arith.mulf %broadcast_in_dim3A_87, %broadcast_in_dim3A_87 : vector<16xf32>
      %add3A_101 = arith.constant 1.000000e-10 : f32
      %add3A_102 = vector.broadcast %add3A_101 : f32 to vector<16xf32>
      %add3A_103 = arith.addf %mul3A_100, %add3A_102 : vector<16xf32>
      %div3A_104 = arith.divf %broadcast_in_dim3A_99, %add3A_103 : vector<16xf32>
      %add3A_105 = arith.addf %div3A, %div3A_104 : vector<16xf32>
      %mul3A_106 = arith.constant 0.00999999977 : f32
      %mul3A_107 = vector.broadcast %mul3A_106 : f32 to vector<16xf32>
      %mul3A_108 = arith.mulf %add3A_105, %mul3A_107 : vector<16xf32>
      %swap3A = arith.constant 0 : i32
      %swap3A_109 = arith.index_cast %swap3A : i32 to index
      %swap3A_110 = arith.constant 0 : index
      %swap3A_111 = tpu.vector_load %arg5[%swap3A_109, %swap3A_110] {strides = array<i32>} : memref<1x16xf32, #tpu.memory_space<vmem>>, vector<16xf32>,
      tpu.vector_store %arg5[%swap3A_109, %swap3A_110], %mul3A_108 {strides = array<i32>} : memref<1x16xf32, #tpu.memory_space<vmem>>, vector<16xf32>,
      "tpu.region"() ({
        %run_scoped3A = tpu.sem_alloc : memref<!tpu.dma_semaphore, #tpu.memory_space<semaphore_mem>>
        tpu.enqueue_dma source(%arg5 : memref<1x16xf32, #tpu.memory_space<vmem>>) target(%arg3 : memref<1x16xf32, #tpu.memory_space<hbm>>) target_semaphore(%run_scoped3A : memref<!tpu.dma_semaphore, #tpu.memory_space<semaphore_mem>>)
        tpu.wait_dma2 semaphore(%run_scoped3A : memref<!tpu.dma_semaphore, #tpu.memory_space<semaphore_mem>>) src(%arg5 : memref<1x16xf32, #tpu.memory_space<vmem>>) dst(%arg3 : memref<1x16xf32, #tpu.memory_space<hbm>>)
        tpu.yield
      }) : () -> ()
    } else {
    }
    return
  }
}

module attributes {stable_mosaic.version = 14 : i64} {
  func.func @_moe_kernel(%arg0: i32, %arg1: memref<1x2048x768xf32, #tpu.memory_space<vmem>>, %arg2: memref<768x8xf32, #tpu.memory_space<vmem>>, %arg3: memref<8x768x16xf32, #tpu.memory_space<vmem>>, %arg4: memref<8x16xf32, #tpu.memory_space<vmem>>, %arg5: memref<768x16xf32, #tpu.memory_space<vmem>>, %arg6: memref<1x16xf32, #tpu.memory_space<vmem>>, %arg7: memref<1x2048x16xf32, #tpu.memory_space<vmem>>, %arg8: memref<1x1x16xf32, #tpu.memory_space<vmem>>) attributes {dimension_semantics = [#tpu.dimension_semantics<arbitrary>], iteration_bounds = array<i64: 4>, scalar_prefetch = 0 : i64, scratch_operands = 0 : i64, tpu.core_type = #tpu.core_type<tc>, window_params = [{transform_indices = @transform_0, window_bounds = array<i64: 1, 2048, 768>}, {pipeline_mode = #tpu.pipeline_mode<synchronous>, transform_indices = @transform_1, window_bounds = array<i64: 768, 8>}, {pipeline_mode = #tpu.pipeline_mode<synchronous>, transform_indices = @transform_2, window_bounds = array<i64: 8, 768, 16>}, {pipeline_mode = #tpu.pipeline_mode<synchronous>, transform_indices = @transform_3, window_bounds = array<i64: 8, 16>}, {pipeline_mode = #tpu.pipeline_mode<synchronous>, transform_indices = @transform_4, window_bounds = array<i64: 768, 16>}, {pipeline_mode = #tpu.pipeline_mode<synchronous>, transform_indices = @transform_5, window_bounds = array<i64: 1, 16>}, {transform_indices = @transform_6, window_bounds = array<i64: 1, 2048, 16>}, {transform_indices = @transform_7, window_bounds = array<i64: 1, 1, 16>}]} {
    %get3A = arith.constant 0 : index
    %get3A_0 = arith.constant 0 : index
    %get3A_1 = arith.constant 0 : index
    %get3A_2 = vector.load %arg1[%get3A, %get3A_0, %get3A_1] : memref<1x2048x768xf32, #tpu.memory_space<vmem>>, vector<1x2048x768xf32>
    %get3A_3 = vector.shape_cast %get3A_2 : vector<1x2048x768xf32> to vector<2048x768xf32>
    %reduce_sum3A = arith.constant dense<0.000000e+00> : vector<768xf32>
    %reduce_sum3A_4 = vector.multi_reduction <add>, %get3A_3, %reduce_sum3A [0] : vector<2048x768xf32> to vector<768xf32>
    %broadcast_in_dim3A = vector.shape_cast %reduce_sum3A_4 : vector<768xf32> to vector<1x768xf32>
    %mul3A = arith.constant 4.8828125E-4 : f32
    %mul3A_5 = vector.broadcast %mul3A : f32 to vector<1x768xf32>
    %mul3A_6 = arith.mulf %broadcast_in_dim3A, %mul3A_5 : vector<1x768xf32>
    %get3A_7 = arith.constant 0 : index
    %get3A_8 = arith.constant 0 : index
    %get3A_9 = vector.load %arg2[%get3A_7, %get3A_8] : memref<768x8xf32, #tpu.memory_space<vmem>>, vector<768x8xf32>
    %dot_general3A = arith.constant dense<0.000000e+00> : vector<1x8xf32>
    %dot_general3A_10 = tpu.matmul %mul3A_6, %get3A_9, %dot_general3A {dimension_numbers = #tpu.dot_dimension_numbers<[1], [0], [0], [1], [0, 0, 1, 1], [], []>, transpose_lhs_hint = false} : vector<1x768xf32>, vector<768x8xf32>, vector<1x8xf32> -> vector<1x8xf32>
    %iota3A = tpu.iota {dimensions = array<i32: 1>} : vector<1x8xi32>
    %reduce_max3A = vector.shape_cast %dot_general3A_10 : vector<1x8xf32> to vector<1x1x8xf32>
    %reduce_max3A_11 = arith.constant dense<0xFF800000> : vector<1xf32>
    %reduce_max3A_12 = vector.multi_reduction <maximumf>, %reduce_max3A, %reduce_max3A_11 [1, 2] : vector<1x1x8xf32> to vector<1xf32>
    %reduce_max3A_13 = vector.shape_cast %reduce_max3A_12 : vector<1xf32> to vector<1x1x1xf32>
    %reduce_max3A_14 = vector.extract %reduce_max3A_13[0, 0, 0] : f32 from vector<1x1x1xf32>
    %eq3A = vector.broadcast %reduce_max3A_14 : f32 to vector<1x8xf32>
    %eq3A_15 = arith.cmpf oeq, %dot_general3A_10, %eq3A : vector<1x8xf32>
    %jit3A = arith.constant 8 : i32
    %broadcast_in_dim3A_16 = vector.broadcast %jit3A : i32 to vector<1x8xi32>
    %select_n3A = arith.select %eq3A_15, %iota3A, %broadcast_in_dim3A_16 : vector<1x8xi1>, vector<1x8xi32>
    %reduce_min3A = vector.shape_cast %select_n3A : vector<1x8xi32> to vector<1x1x8xi32>
    %reduce_min3A_17 = arith.constant dense<2147483647> : vector<1xi32>
    %reduce_min3A_18 = vector.multi_reduction <minsi>, %reduce_min3A, %reduce_min3A_17 [1, 2] : vector<1x1x8xi32> to vector<1xi32>
    %reduce_min3A_19 = vector.shape_cast %reduce_min3A_18 : vector<1xi32> to vector<1x1x1xi32>
    %reduce_min3A_20 = vector.extract %reduce_min3A_19[0, 0, 0] : i32 from vector<1x1x1xi32>
    %eq3A_21 = vector.broadcast %reduce_min3A_20 : i32 to vector<1x8xi32>
    %eq3A_22 = arith.cmpi eq, %iota3A, %eq3A_21 : vector<1x8xi32>
    %jit3A_23 = arith.constant 0xFF800000 : f32
    %broadcast_in_dim3A_24 = vector.broadcast %jit3A_23 : f32 to vector<1x8xf32>
    %select_n3A_25 = arith.select %eq3A_22, %broadcast_in_dim3A_24, %dot_general3A_10 : vector<1x8xi1>, vector<1x8xf32>
    %reduce_max3A_26 = vector.shape_cast %select_n3A_25 : vector<1x8xf32> to vector<1x1x8xf32>
    %reduce_max3A_27 = arith.constant dense<0xFF800000> : vector<1xf32>
    %reduce_max3A_28 = vector.multi_reduction <maximumf>, %reduce_max3A_26, %reduce_max3A_27 [1, 2] : vector<1x1x8xf32> to vector<1xf32>
    %reduce_max3A_29 = vector.shape_cast %reduce_max3A_28 : vector<1xf32> to vector<1x1x1xf32>
    %reduce_max3A_30 = vector.extract %reduce_max3A_29[0, 0, 0] : f32 from vector<1x1x1xf32>
    %eq3A_31 = vector.broadcast %reduce_max3A_30 : f32 to vector<1x8xf32>
    %eq3A_32 = arith.cmpf oeq, %select_n3A_25, %eq3A_31 : vector<1x8xf32>
    %jit3A_33 = arith.constant 8 : i32
    %broadcast_in_dim3A_34 = vector.broadcast %jit3A_33 : i32 to vector<1x8xi32>
    %select_n3A_35 = arith.select %eq3A_32, %iota3A, %broadcast_in_dim3A_34 : vector<1x8xi1>, vector<1x8xi32>
    %reduce_min3A_36 = vector.shape_cast %select_n3A_35 : vector<1x8xi32> to vector<1x1x8xi32>
    %reduce_min3A_37 = arith.constant dense<2147483647> : vector<1xi32>
    %reduce_min3A_38 = vector.multi_reduction <minsi>, %reduce_min3A_36, %reduce_min3A_37 [1, 2] : vector<1x1x8xi32> to vector<1xi32>
    %reduce_min3A_39 = vector.shape_cast %reduce_min3A_38 : vector<1xi32> to vector<1x1x1xi32>
    %reduce_min3A_40 = vector.extract %reduce_min3A_39[0, 0, 0] : i32 from vector<1x1x1xi32>
    %eq3A_41 = vector.broadcast %reduce_min3A_40 : i32 to vector<1x8xi32>
    %eq3A_42 = arith.cmpi eq, %iota3A, %eq3A_41 : vector<1x8xi32>
    %sub3A = arith.subf %reduce_max3A_30, %reduce_max3A_14 : f32
    %exp3A = math.exp %sub3A : f32
    %add3A = arith.constant 1.000000e+00 : f32
    %add3A_43 = arith.addf %add3A, %exp3A : f32
    %div3A = arith.constant 1.000000e+00 : f32
    %div3A_44 = arith.divf %div3A, %add3A_43 : f32
    %add3A_45 = arith.constant 1.000000e+00 : f32
    %add3A_46 = arith.addf %add3A_45, %exp3A : f32
    %div3A_47 = arith.divf %exp3A, %add3A_46 : f32
    %jit3A_48 = arith.constant 0.000000e+00 : f32
    %broadcast_in_dim3A_49 = vector.broadcast %div3A_44 : f32 to vector<1x8xf32>
    %broadcast_in_dim3A_50 = vector.broadcast %jit3A_48 : f32 to vector<1x8xf32>
    %select_n3A_51 = arith.select %eq3A_22, %broadcast_in_dim3A_49, %broadcast_in_dim3A_50 : vector<1x8xi1>, vector<1x8xf32>
    %jit3A_52 = arith.constant 0.000000e+00 : f32
    %broadcast_in_dim3A_53 = vector.broadcast %div3A_47 : f32 to vector<1x8xf32>
    %broadcast_in_dim3A_54 = vector.broadcast %jit3A_52 : f32 to vector<1x8xf32>
    %select_n3A_55 = arith.select %eq3A_42, %broadcast_in_dim3A_53, %broadcast_in_dim3A_54 : vector<1x8xi1>, vector<1x8xf32>
    %add3A_56 = arith.addf %select_n3A_51, %select_n3A_55 : vector<1x8xf32>
    %broadcast_in_dim3A_57 = arith.constant 0.000000e+00 : f32
    %broadcast_in_dim3A_58 = vector.broadcast %broadcast_in_dim3A_57 : f32 to vector<1x8xf32>
    %concatenate3A = tpu.concatenate %add3A_56, %broadcast_in_dim3A_58 in 1 : vector<1x8xf32>, vector<1x8xf32> -> vector<1x16xf32>
    %swap3A = arith.constant 0 : index
    %swap3A_59 = arith.constant 0 : index
    %swap3A_60 = arith.constant 0 : index
    %swap3A_61 = vector.load %arg8[%swap3A, %swap3A_59, %swap3A_60] : memref<1x1x16xf32, #tpu.memory_space<vmem>>, vector<1x1x16xf32>
    %swap3A_62 = vector.shape_cast %swap3A_61 : vector<1x1x16xf32> to vector<1x16xf32>
    %swap3A_63 = vector.shape_cast %concatenate3A : vector<1x16xf32> to vector<1x1x16xf32>
    tpu.vector_store %arg8[%swap3A, %swap3A_59, %swap3A_60], %swap3A_63 {strides = array<i32>} : memref<1x1x16xf32, #tpu.memory_space<vmem>>, vector<1x1x16xf32>,
    %get3A_64 = arith.constant 0 : index
    %get3A_65 = arith.constant 0 : index
    %get3A_66 = vector.load %arg5[%get3A_64, %get3A_65] : memref<768x16xf32, #tpu.memory_space<vmem>>, vector<768x16xf32>
    %get3A_67 = arith.constant 0 : index
    %get3A_68 = arith.constant 0 : index
    %get3A_69 = vector.load %arg6[%get3A_67, %get3A_68] : memref<1x16xf32, #tpu.memory_space<vmem>>, vector<1x16xf32>
    %eq3A_70 = arith.constant 0 : i32
    %eq3A_71 = vector.broadcast %eq3A_70 : i32 to vector<1x8xi32>
    %eq3A_72 = arith.cmpi eq, %iota3A, %eq3A_71 : vector<1x8xi32>
    %jit3A_73 = arith.constant 0.000000e+00 : f32
    %broadcast_in_dim3A_74 = vector.broadcast %jit3A_73 : f32 to vector<1x8xf32>
    %select_n3A_75 = arith.select %eq3A_72, %add3A_56, %broadcast_in_dim3A_74 : vector<1x8xi1>, vector<1x8xf32>
    %reduce_sum3A_76 = vector.shape_cast %select_n3A_75 : vector<1x8xf32> to vector<1x1x8xf32>
    %reduce_sum3A_77 = arith.constant dense<0.000000e+00> : vector<1xf32>
    %reduce_sum3A_78 = vector.multi_reduction <add>, %reduce_sum3A_76, %reduce_sum3A_77 [1, 2] : vector<1x1x8xf32> to vector<1xf32>
    %reduce_sum3A_79 = vector.shape_cast %reduce_sum3A_78 : vector<1xf32> to vector<1x1x1xf32>
    %reduce_sum3A_80 = vector.extract %reduce_sum3A_79[0, 0, 0] : f32 from vector<1x1x1xf32>
    %get3A_81 = arith.constant 0 : index
    %get3A_82 = arith.constant 0 : index
    %get3A_83 = arith.constant 0 : index
    %get3A_84 = vector.load %arg3[%get3A_81, %get3A_82, %get3A_83] : memref<8x768x16xf32, #tpu.memory_space<vmem>>, vector<1x768x16xf32>
    %get3A_85 = vector.shape_cast %get3A_84 : vector<1x768x16xf32> to vector<768x16xf32>
    %mul3A_86 = vector.broadcast %reduce_sum3A_80 : f32 to vector<768x16xf32>
    %mul3A_87 = arith.mulf %mul3A_86, %get3A_85 : vector<768x16xf32>
    %add3A_88 = arith.addf %get3A_66, %mul3A_87 : vector<768x16xf32>
    %get3A_89 = arith.constant 0 : index
    %get3A_90 = arith.constant 0 : index
    %get3A_91 = vector.load %arg4[%get3A_89, %get3A_90] : memref<8x16xf32, #tpu.memory_space<vmem>>, vector<1x16xf32>
    %get3A_92 = vector.shape_cast %get3A_91 : vector<1x16xf32> to vector<16xf32>
    %broadcast_in_dim3A_93 = vector.shape_cast %get3A_92 : vector<16xf32> to vector<1x16xf32>
    %mul3A_94 = vector.broadcast %reduce_sum3A_80 : f32 to vector<1x16xf32>
    %mul3A_95 = arith.mulf %mul3A_94, %broadcast_in_dim3A_93 : vector<1x16xf32>
    %add3A_96 = arith.addf %get3A_69, %mul3A_95 : vector<1x16xf32>
    %eq3A_97 = arith.constant 1 : i32
    %eq3A_98 = vector.broadcast %eq3A_97 : i32 to vector<1x8xi32>
    %eq3A_99 = arith.cmpi eq, %iota3A, %eq3A_98 : vector<1x8xi32>
    %jit3A_100 = arith.constant 0.000000e+00 : f32
    %broadcast_in_dim3A_101 = vector.broadcast %jit3A_100 : f32 to vector<1x8xf32>
    %select_n3A_102 = arith.select %eq3A_99, %add3A_56, %broadcast_in_dim3A_101 : vector<1x8xi1>, vector<1x8xf32>
    %reduce_sum3A_103 = vector.shape_cast %select_n3A_102 : vector<1x8xf32> to vector<1x1x8xf32>
    %reduce_sum3A_104 = arith.constant dense<0.000000e+00> : vector<1xf32>
    %reduce_sum3A_105 = vector.multi_reduction <add>, %reduce_sum3A_103, %reduce_sum3A_104 [1, 2] : vector<1x1x8xf32> to vector<1xf32>
    %reduce_sum3A_106 = vector.shape_cast %reduce_sum3A_105 : vector<1xf32> to vector<1x1x1xf32>
    %reduce_sum3A_107 = vector.extract %reduce_sum3A_106[0, 0, 0] : f32 from vector<1x1x1xf32>
    %get3A_108 = arith.constant 1 : index
    %get3A_109 = arith.constant 0 : index
    %get3A_110 = arith.constant 0 : index
    %get3A_111 = vector.load %arg3[%get3A_108, %get3A_109, %get3A_110] : memref<8x768x16xf32, #tpu.memory_space<vmem>>, vector<1x768x16xf32>
    %get3A_112 = vector.shape_cast %get3A_111 : vector<1x768x16xf32> to vector<768x16xf32>
    %mul3A_113 = vector.broadcast %reduce_sum3A_107 : f32 to vector<768x16xf32>
    %mul3A_114 = arith.mulf %mul3A_113, %get3A_112 : vector<768x16xf32>
    %add3A_115 = arith.addf %add3A_88, %mul3A_114 : vector<768x16xf32>
    %get3A_116 = arith.constant 1 : index
    %get3A_117 = arith.constant 0 : index
    %get3A_118 = vector.load %arg4[%get3A_116, %get3A_117] : memref<8x16xf32, #tpu.memory_space<vmem>>, vector<1x16xf32>
    %get3A_119 = vector.shape_cast %get3A_118 : vector<1x16xf32> to vector<16xf32>
    %broadcast_in_dim3A_120 = vector.shape_cast %get3A_119 : vector<16xf32> to vector<1x16xf32>
    %mul3A_121 = vector.broadcast %reduce_sum3A_107 : f32 to vector<1x16xf32>
    %mul3A_122 = arith.mulf %mul3A_121, %broadcast_in_dim3A_120 : vector<1x16xf32>
    %add3A_123 = arith.addf %add3A_96, %mul3A_122 : vector<1x16xf32>
    %eq3A_124 = arith.constant 2 : i32
    %eq3A_125 = vector.broadcast %eq3A_124 : i32 to vector<1x8xi32>
    %eq3A_126 = arith.cmpi eq, %iota3A, %eq3A_125 : vector<1x8xi32>
    %jit3A_127 = arith.constant 0.000000e+00 : f32
    %broadcast_in_dim3A_128 = vector.broadcast %jit3A_127 : f32 to vector<1x8xf32>
    %select_n3A_129 = arith.select %eq3A_126, %add3A_56, %broadcast_in_dim3A_128 : vector<1x8xi1>, vector<1x8xf32>
    %reduce_sum3A_130 = vector.shape_cast %select_n3A_129 : vector<1x8xf32> to vector<1x1x8xf32>
    %reduce_sum3A_131 = arith.constant dense<0.000000e+00> : vector<1xf32>
    %reduce_sum3A_132 = vector.multi_reduction <add>, %reduce_sum3A_130, %reduce_sum3A_131 [1, 2] : vector<1x1x8xf32> to vector<1xf32>
    %reduce_sum3A_133 = vector.shape_cast %reduce_sum3A_132 : vector<1xf32> to vector<1x1x1xf32>
    %reduce_sum3A_134 = vector.extract %reduce_sum3A_133[0, 0, 0] : f32 from vector<1x1x1xf32>
    %get3A_135 = arith.constant 2 : index
    %get3A_136 = arith.constant 0 : index
    %get3A_137 = arith.constant 0 : index
    %get3A_138 = vector.load %arg3[%get3A_135, %get3A_136, %get3A_137] : memref<8x768x16xf32, #tpu.memory_space<vmem>>, vector<1x768x16xf32>
    %get3A_139 = vector.shape_cast %get3A_138 : vector<1x768x16xf32> to vector<768x16xf32>
    %mul3A_140 = vector.broadcast %reduce_sum3A_134 : f32 to vector<768x16xf32>
    %mul3A_141 = arith.mulf %mul3A_140, %get3A_139 : vector<768x16xf32>
    %add3A_142 = arith.addf %add3A_115, %mul3A_141 : vector<768x16xf32>
    %get3A_143 = arith.constant 2 : index
    %get3A_144 = arith.constant 0 : index
    %get3A_145 = vector.load %arg4[%get3A_143, %get3A_144] : memref<8x16xf32, #tpu.memory_space<vmem>>, vector<1x16xf32>
    %get3A_146 = vector.shape_cast %get3A_145 : vector<1x16xf32> to vector<16xf32>
    %broadcast_in_dim3A_147 = vector.shape_cast %get3A_146 : vector<16xf32> to vector<1x16xf32>
    %mul3A_148 = vector.broadcast %reduce_sum3A_134 : f32 to vector<1x16xf32>
    %mul3A_149 = arith.mulf %mul3A_148, %broadcast_in_dim3A_147 : vector<1x16xf32>
    %add3A_150 = arith.addf %add3A_123, %mul3A_149 : vector<1x16xf32>
    %eq3A_151 = arith.constant 3 : i32
    %eq3A_152 = vector.broadcast %eq3A_151 : i32 to vector<1x8xi32>
    %eq3A_153 = arith.cmpi eq, %iota3A, %eq3A_152 : vector<1x8xi32>
    %jit3A_154 = arith.constant 0.000000e+00 : f32
    %broadcast_in_dim3A_155 = vector.broadcast %jit3A_154 : f32 to vector<1x8xf32>
    %select_n3A_156 = arith.select %eq3A_153, %add3A_56, %broadcast_in_dim3A_155 : vector<1x8xi1>, vector<1x8xf32>
    %reduce_sum3A_157 = vector.shape_cast %select_n3A_156 : vector<1x8xf32> to vector<1x1x8xf32>
    %reduce_sum3A_158 = arith.constant dense<0.000000e+00> : vector<1xf32>
    %reduce_sum3A_159 = vector.multi_reduction <add>, %reduce_sum3A_157, %reduce_sum3A_158 [1, 2] : vector<1x1x8xf32> to vector<1xf32>
    %reduce_sum3A_160 = vector.shape_cast %reduce_sum3A_159 : vector<1xf32> to vector<1x1x1xf32>
    %reduce_sum3A_161 = vector.extract %reduce_sum3A_160[0, 0, 0] : f32 from vector<1x1x1xf32>
    %get3A_162 = arith.constant 3 : index
    %get3A_163 = arith.constant 0 : index
    %get3A_164 = arith.constant 0 : index
    %get3A_165 = vector.load %arg3[%get3A_162, %get3A_163, %get3A_164] : memref<8x768x16xf32, #tpu.memory_space<vmem>>, vector<1x768x16xf32>
    %get3A_166 = vector.shape_cast %get3A_165 : vector<1x768x16xf32> to vector<768x16xf32>
    %mul3A_167 = vector.broadcast %reduce_sum3A_161 : f32 to vector<768x16xf32>
    %mul3A_168 = arith.mulf %mul3A_167, %get3A_166 : vector<768x16xf32>
    %add3A_169 = arith.addf %add3A_142, %mul3A_168 : vector<768x16xf32>
    %get3A_170 = arith.constant 3 : index
    %get3A_171 = arith.constant 0 : index
    %get3A_172 = vector.load %arg4[%get3A_170, %get3A_171] : memref<8x16xf32, #tpu.memory_space<vmem>>, vector<1x16xf32>
    %get3A_173 = vector.shape_cast %get3A_172 : vector<1x16xf32> to vector<16xf32>
    %broadcast_in_dim3A_174 = vector.shape_cast %get3A_173 : vector<16xf32> to vector<1x16xf32>
    %mul3A_175 = vector.broadcast %reduce_sum3A_161 : f32 to vector<1x16xf32>
    %mul3A_176 = arith.mulf %mul3A_175, %broadcast_in_dim3A_174 : vector<1x16xf32>
    %add3A_177 = arith.addf %add3A_150, %mul3A_176 : vector<1x16xf32>
    %eq3A_178 = arith.constant 4 : i32
    %eq3A_179 = vector.broadcast %eq3A_178 : i32 to vector<1x8xi32>
    %eq3A_180 = arith.cmpi eq, %iota3A, %eq3A_179 : vector<1x8xi32>
    %jit3A_181 = arith.constant 0.000000e+00 : f32
    %broadcast_in_dim3A_182 = vector.broadcast %jit3A_181 : f32 to vector<1x8xf32>
    %select_n3A_183 = arith.select %eq3A_180, %add3A_56, %broadcast_in_dim3A_182 : vector<1x8xi1>, vector<1x8xf32>
    %reduce_sum3A_184 = vector.shape_cast %select_n3A_183 : vector<1x8xf32> to vector<1x1x8xf32>
    %reduce_sum3A_185 = arith.constant dense<0.000000e+00> : vector<1xf32>
    %reduce_sum3A_186 = vector.multi_reduction <add>, %reduce_sum3A_184, %reduce_sum3A_185 [1, 2] : vector<1x1x8xf32> to vector<1xf32>
    %reduce_sum3A_187 = vector.shape_cast %reduce_sum3A_186 : vector<1xf32> to vector<1x1x1xf32>
    %reduce_sum3A_188 = vector.extract %reduce_sum3A_187[0, 0, 0] : f32 from vector<1x1x1xf32>
    %get3A_189 = arith.constant 4 : index
    %get3A_190 = arith.constant 0 : index
    %get3A_191 = arith.constant 0 : index
    %get3A_192 = vector.load %arg3[%get3A_189, %get3A_190, %get3A_191] : memref<8x768x16xf32, #tpu.memory_space<vmem>>, vector<1x768x16xf32>
    %get3A_193 = vector.shape_cast %get3A_192 : vector<1x768x16xf32> to vector<768x16xf32>
    %mul3A_194 = vector.broadcast %reduce_sum3A_188 : f32 to vector<768x16xf32>
    %mul3A_195 = arith.mulf %mul3A_194, %get3A_193 : vector<768x16xf32>
    %add3A_196 = arith.addf %add3A_169, %mul3A_195 : vector<768x16xf32>
    %get3A_197 = arith.constant 4 : index
    %get3A_198 = arith.constant 0 : index
    %get3A_199 = vector.load %arg4[%get3A_197, %get3A_198] : memref<8x16xf32, #tpu.memory_space<vmem>>, vector<1x16xf32>
    %get3A_200 = vector.shape_cast %get3A_199 : vector<1x16xf32> to vector<16xf32>
    %broadcast_in_dim3A_201 = vector.shape_cast %get3A_200 : vector<16xf32> to vector<1x16xf32>
    %mul3A_202 = vector.broadcast %reduce_sum3A_188 : f32 to vector<1x16xf32>
    %mul3A_203 = arith.mulf %mul3A_202, %broadcast_in_dim3A_201 : vector<1x16xf32>
    %add3A_204 = arith.addf %add3A_177, %mul3A_203 : vector<1x16xf32>
    %eq3A_205 = arith.constant 5 : i32
    %eq3A_206 = vector.broadcast %eq3A_205 : i32 to vector<1x8xi32>
    %eq3A_207 = arith.cmpi eq, %iota3A, %eq3A_206 : vector<1x8xi32>
    %jit3A_208 = arith.constant 0.000000e+00 : f32
    %broadcast_in_dim3A_209 = vector.broadcast %jit3A_208 : f32 to vector<1x8xf32>
    %select_n3A_210 = arith.select %eq3A_207, %add3A_56, %broadcast_in_dim3A_209 : vector<1x8xi1>, vector<1x8xf32>
    %reduce_sum3A_211 = vector.shape_cast %select_n3A_210 : vector<1x8xf32> to vector<1x1x8xf32>
    %reduce_sum3A_212 = arith.constant dense<0.000000e+00> : vector<1xf32>
    %reduce_sum3A_213 = vector.multi_reduction <add>, %reduce_sum3A_211, %reduce_sum3A_212 [1, 2] : vector<1x1x8xf32> to vector<1xf32>
    %reduce_sum3A_214 = vector.shape_cast %reduce_sum3A_213 : vector<1xf32> to vector<1x1x1xf32>
    %reduce_sum3A_215 = vector.extract %reduce_sum3A_214[0, 0, 0] : f32 from vector<1x1x1xf32>
    %get3A_216 = arith.constant 5 : index
    %get3A_217 = arith.constant 0 : index
    %get3A_218 = arith.constant 0 : index
    %get3A_219 = vector.load %arg3[%get3A_216, %get3A_217, %get3A_218] : memref<8x768x16xf32, #tpu.memory_space<vmem>>, vector<1x768x16xf32>
    %get3A_220 = vector.shape_cast %get3A_219 : vector<1x768x16xf32> to vector<768x16xf32>
    %mul3A_221 = vector.broadcast %reduce_sum3A_215 : f32 to vector<768x16xf32>
    %mul3A_222 = arith.mulf %mul3A_221, %get3A_220 : vector<768x16xf32>
    %add3A_223 = arith.addf %add3A_196, %mul3A_222 : vector<768x16xf32>
    %get3A_224 = arith.constant 5 : index
    %get3A_225 = arith.constant 0 : index
    %get3A_226 = vector.load %arg4[%get3A_224, %get3A_225] : memref<8x16xf32, #tpu.memory_space<vmem>>, vector<1x16xf32>
    %get3A_227 = vector.shape_cast %get3A_226 : vector<1x16xf32> to vector<16xf32>
    %broadcast_in_dim3A_228 = vector.shape_cast %get3A_227 : vector<16xf32> to vector<1x16xf32>
    %mul3A_229 = vector.broadcast %reduce_sum3A_215 : f32 to vector<1x16xf32>
    %mul3A_230 = arith.mulf %mul3A_229, %broadcast_in_dim3A_228 : vector<1x16xf32>
    %add3A_231 = arith.addf %add3A_204, %mul3A_230 : vector<1x16xf32>
    %eq3A_232 = arith.constant 6 : i32
    %eq3A_233 = vector.broadcast %eq3A_232 : i32 to vector<1x8xi32>
    %eq3A_234 = arith.cmpi eq, %iota3A, %eq3A_233 : vector<1x8xi32>
    %jit3A_235 = arith.constant 0.000000e+00 : f32
    %broadcast_in_dim3A_236 = vector.broadcast %jit3A_235 : f32 to vector<1x8xf32>
    %select_n3A_237 = arith.select %eq3A_234, %add3A_56, %broadcast_in_dim3A_236 : vector<1x8xi1>, vector<1x8xf32>
    %reduce_sum3A_238 = vector.shape_cast %select_n3A_237 : vector<1x8xf32> to vector<1x1x8xf32>
    %reduce_sum3A_239 = arith.constant dense<0.000000e+00> : vector<1xf32>
    %reduce_sum3A_240 = vector.multi_reduction <add>, %reduce_sum3A_238, %reduce_sum3A_239 [1, 2] : vector<1x1x8xf32> to vector<1xf32>
    %reduce_sum3A_241 = vector.shape_cast %reduce_sum3A_240 : vector<1xf32> to vector<1x1x1xf32>
    %reduce_sum3A_242 = vector.extract %reduce_sum3A_241[0, 0, 0] : f32 from vector<1x1x1xf32>
    %get3A_243 = arith.constant 6 : index
    %get3A_244 = arith.constant 0 : index
    %get3A_245 = arith.constant 0 : index
    %get3A_246 = vector.load %arg3[%get3A_243, %get3A_244, %get3A_245] : memref<8x768x16xf32, #tpu.memory_space<vmem>>, vector<1x768x16xf32>
    %get3A_247 = vector.shape_cast %get3A_246 : vector<1x768x16xf32> to vector<768x16xf32>
    %mul3A_248 = vector.broadcast %reduce_sum3A_242 : f32 to vector<768x16xf32>
    %mul3A_249 = arith.mulf %mul3A_248, %get3A_247 : vector<768x16xf32>
    %add3A_250 = arith.addf %add3A_223, %mul3A_249 : vector<768x16xf32>
    %get3A_251 = arith.constant 6 : index
    %get3A_252 = arith.constant 0 : index
    %get3A_253 = vector.load %arg4[%get3A_251, %get3A_252] : memref<8x16xf32, #tpu.memory_space<vmem>>, vector<1x16xf32>
    %get3A_254 = vector.shape_cast %get3A_253 : vector<1x16xf32> to vector<16xf32>
    %broadcast_in_dim3A_255 = vector.shape_cast %get3A_254 : vector<16xf32> to vector<1x16xf32>
    %mul3A_256 = vector.broadcast %reduce_sum3A_242 : f32 to vector<1x16xf32>
    %mul3A_257 = arith.mulf %mul3A_256, %broadcast_in_dim3A_255 : vector<1x16xf32>
    %add3A_258 = arith.addf %add3A_231, %mul3A_257 : vector<1x16xf32>
    %eq3A_259 = arith.constant 7 : i32
    %eq3A_260 = vector.broadcast %eq3A_259 : i32 to vector<1x8xi32>
    %eq3A_261 = arith.cmpi eq, %iota3A, %eq3A_260 : vector<1x8xi32>
    %jit3A_262 = arith.constant 0.000000e+00 : f32
    %broadcast_in_dim3A_263 = vector.broadcast %jit3A_262 : f32 to vector<1x8xf32>
    %select_n3A_264 = arith.select %eq3A_261, %add3A_56, %broadcast_in_dim3A_263 : vector<1x8xi1>, vector<1x8xf32>
    %reduce_sum3A_265 = vector.shape_cast %select_n3A_264 : vector<1x8xf32> to vector<1x1x8xf32>
    %reduce_sum3A_266 = arith.constant dense<0.000000e+00> : vector<1xf32>
    %reduce_sum3A_267 = vector.multi_reduction <add>, %reduce_sum3A_265, %reduce_sum3A_266 [1, 2] : vector<1x1x8xf32> to vector<1xf32>
    %reduce_sum3A_268 = vector.shape_cast %reduce_sum3A_267 : vector<1xf32> to vector<1x1x1xf32>
    %reduce_sum3A_269 = vector.extract %reduce_sum3A_268[0, 0, 0] : f32 from vector<1x1x1xf32>
    %get3A_270 = arith.constant 7 : index
    %get3A_271 = arith.constant 0 : index
    %get3A_272 = arith.constant 0 : index
    %get3A_273 = vector.load %arg3[%get3A_270, %get3A_271, %get3A_272] : memref<8x768x16xf32, #tpu.memory_space<vmem>>, vector<1x768x16xf32>
    %get3A_274 = vector.shape_cast %get3A_273 : vector<1x768x16xf32> to vector<768x16xf32>
    %mul3A_275 = vector.broadcast %reduce_sum3A_269 : f32 to vector<768x16xf32>
    %mul3A_276 = arith.mulf %mul3A_275, %get3A_274 : vector<768x16xf32>
    %add3A_277 = arith.addf %add3A_250, %mul3A_276 : vector<768x16xf32>
    %get3A_278 = arith.constant 7 : index
    %get3A_279 = arith.constant 0 : index
    %get3A_280 = vector.load %arg4[%get3A_278, %get3A_279] : memref<8x16xf32, #tpu.memory_space<vmem>>, vector<1x16xf32>
    %get3A_281 = vector.shape_cast %get3A_280 : vector<1x16xf32> to vector<16xf32>
    %broadcast_in_dim3A_282 = vector.shape_cast %get3A_281 : vector<16xf32> to vector<1x16xf32>
    %mul3A_283 = vector.broadcast %reduce_sum3A_269 : f32 to vector<1x16xf32>
    %mul3A_284 = arith.mulf %mul3A_283, %broadcast_in_dim3A_282 : vector<1x16xf32>
    %add3A_285 = arith.addf %add3A_258, %mul3A_284 : vector<1x16xf32>
    %convert_element_type3A = arith.truncf %get3A_3 : vector<2048x768xf32> to vector<2048x768xbf16>
    %convert_element_type3A_286 = arith.truncf %add3A_277 : vector<768x16xf32> to vector<768x16xbf16>
    %dot_general3A_287 = arith.constant dense<0.000000e+00> : vector<2048x16xf32>
    %dot_general3A_288 = tpu.matmul %convert_element_type3A, %convert_element_type3A_286, %dot_general3A_287 {dimension_numbers = #tpu.dot_dimension_numbers<[1], [0], [0], [1], [0, 0, 1, 1], [], []>, transpose_lhs_hint = false} : vector<2048x768xbf16>, vector<768x16xbf16>, vector<2048x16xf32> -> vector<2048x16xf32>
    %add3A_289 = vector.broadcast %add3A_285 : vector<1x16xf32> to vector<2048x16xf32>
    %add3A_290 = arith.addf %dot_general3A_288, %add3A_289 : vector<2048x16xf32>
    %swap3A_291 = arith.constant 0 : index
    %swap3A_292 = arith.constant 0 : index
    %swap3A_293 = arith.constant 0 : index
    %swap3A_294 = vector.load %arg7[%swap3A_291, %swap3A_292, %swap3A_293] : memref<1x2048x16xf32, #tpu.memory_space<vmem>>, vector<1x2048x16xf32>
    %swap3A_295 = vector.shape_cast %swap3A_294 : vector<1x2048x16xf32> to vector<2048x16xf32>
    %swap3A_296 = vector.shape_cast %add3A_290 : vector<2048x16xf32> to vector<1x2048x16xf32>
    tpu.vector_store %arg7[%swap3A_291, %swap3A_292, %swap3A_293], %swap3A_296 {strides = array<i32>} : memref<1x2048x16xf32, #tpu.memory_space<vmem>>, vector<1x2048x16xf32>,
    return
  }
  func.func @transform_0(%arg0: i32) -> (i32, i32, i32) {
    %c0_i32 = arith.constant 0 : i32
    %c0_i32_0 = arith.constant 0 : i32
    %c0_i32_1 = arith.constant 0 : i32
    return %arg0, %c0_i32, %c0_i32_0 : i32, i32, i32
  }
  func.func @transform_1(%arg0: i32) -> (i32, i32) {
    %c0_i32 = arith.constant 0 : i32
    %c0_i32_0 = arith.constant 0 : i32
    %c0_i32_1 = arith.constant 0 : i32
    return %c0_i32, %c0_i32_0 : i32, i32
  }
  func.func @transform_2(%arg0: i32) -> (i32, i32, i32) {
    %c0_i32 = arith.constant 0 : i32
    %c0_i32_0 = arith.constant 0 : i32
    %c0_i32_1 = arith.constant 0 : i32
    %c0_i32_2 = arith.constant 0 : i32
    return %c0_i32, %c0_i32_0, %c0_i32_1 : i32, i32, i32
  }
  func.func @transform_3(%arg0: i32) -> (i32, i32) {
    %c0_i32 = arith.constant 0 : i32
    %c0_i32_0 = arith.constant 0 : i32
    %c0_i32_1 = arith.constant 0 : i32
    return %c0_i32, %c0_i32_0 : i32, i32
  }
  func.func @transform_4(%arg0: i32) -> (i32, i32) {
    %c0_i32 = arith.constant 0 : i32
    %c0_i32_0 = arith.constant 0 : i32
    %c0_i32_1 = arith.constant 0 : i32
    return %c0_i32, %c0_i32_0 : i32, i32
  }
  func.func @transform_5(%arg0: i32) -> (i32, i32) {
    %c0_i32 = arith.constant 0 : i32
    %c0_i32_0 = arith.constant 0 : i32
    %c0_i32_1 = arith.constant 0 : i32
    return %c0_i32, %c0_i32_0 : i32, i32
  }
  func.func @transform_6(%arg0: i32) -> (i32, i32, i32) {
    %c0_i32 = arith.constant 0 : i32
    %c0_i32_0 = arith.constant 0 : i32
    %c0_i32_1 = arith.constant 0 : i32
    return %arg0, %c0_i32, %c0_i32_0 : i32, i32, i32
  }
  func.func @transform_7(%arg0: i32) -> (i32, i32, i32) {
    %c0_i32 = arith.constant 0 : i32
    %c0_i32_0 = arith.constant 0 : i32
    %c0_i32_1 = arith.constant 0 : i32
    return %arg0, %c0_i32, %c0_i32_0 : i32, i32, i32
  }
}

</mosaic_0001>

<sc_bundles>
// kernel: kernel.4.cloned.1.call-start
scs
__scs_entry_jumppad:
0x0: {  	(pc) =	sbr.rel $0x88, $3  }
0x1: {  	(tag) =	ssettag $0x0;
	lr =	simm.s32 $0x1  }
0x2: {  	[smem:$0x3F9B] =	sst lr;
	_ =	strace $0xD0000000  }
0x3: {  	_ = 	snop  }
0x4: {  	_ = 	snop  }
0x5: {  	_ = 	snop  }
0x6: {  	_ = 	snop  }
0x7: {  	_ = 	snop  }
__scs_overlays_trampoline_lowered:
0x8: {  	[smem:$0x3FAA] =	sst s0  }
0x9: {  	[smem:$0x3FAB] =	sst s1  }
0xa: {  	[smem:$0x3FAC] =	sst s2  }
0xb: {  	[smem:$0x3FAD] =	sst s3  }
0xc: {  	[smem:$0x3FAE] =	sst s4  }
0xd: {  	[smem:$0x3FAF] =	sst s5  }
0xe: {  	[smem:$0x3FB0] =	sst s6  }
0xf: {  	[smem:$0x3FB1] =	sst s7  }
0x10: {  	[smem:$0x3FB2] =	sst s8  }
0x11: {  	[smem:$0x3FB3] =	sst s9;
	s0 =	simm.s32 @!p0 $0x0  }
0x12: {  	s1 =	sld [smem:$0x3F99];
	s0 =	simm.s32 @p0 $0x1  }
0x13: {  	[smem:$0x3FB4] =	sst s0;
	s0 =	simm.s32 @!p1 $0x0  }
0x14: {  	s2 =	sld [smem:$0x3F98];
	s0 =	simm.s32 @p1 $0x1  }
0x15: {  	[smem:$0x3FB5] =	sst s0;
	s0 =	simm.s32 @!p2 $0x0  }
0x16: {  	s3 =	sld [smem:$0x3FDB];
	s0 =	simm.s32 @p2 $0x1  }
0x17: {  	s4 =	simm.s32 $0x1BF5;
	[smem:$0x3FB7] =	sst s0  }
0x18: {  	s0 =	sld [smem:$0x3F9A];
	_ =	swait.ge [sflag:s4], $0x0  }
0x19: {  	s7 =	sld [smem:$0x3F9B]  }
0x1a: {  	s8 =	sadd.s32 $0xFFFFE003, lr  }
0x1b: {  	s9 =	sadd.s32 $0xFFFFFEF7, lr;
	s5 =	simm.s32 $0xFFFFFFFF;
	p2 =	slt.u32 s8, $0xFFFFF086  }
0x1c: {  	p1 =	slt.u32 s9, $0xF7A;
	s5 =	simm.s32 @!p2 $0x0  }
0x1d: {  	s5 =	simm.s32 @p1 $0x1;
	p0 =	seq.s32 s7, s2  }
0x1e: {  	s7 =	smul.u32 @!p0 $0xF7A, s2;
	p2 =	seq.s32 @!p0 s5, $0x0  }
0x1f: {  	s9 =	smul.u32 $0xF7A, s1;
	s8 =	simm.s32 @!p0 $0x1BF5;
	p2 =	por !p2, p0  }
0x20: {  	[sflag:s8] =	ssyncset.s32 @!p0 $0xFFFFF086;
	s6 =	sadd.s32 @!p0 s3, s7;
	s7 =	simm.s32 @!p0 $0x108  }
0x21: {  	s3 =	sadd.s32 s3, s9;
	s6 =	sadd.s32 @!p0 $0x88, s6;
	s7 =	simm.s32 @p2 $0x1082  }
0x22: {  	[simem:s7], [sflag:s8] =	dma.local @!p0 [hbm:s6], $0xF7A  }
0x23: {  	s9 =	sor.u32 $0xD0000000, s2;
	s6 =	simm.s32 $0x108;
	_ =	swait.ge @!p0 [sflag:s8], $0x0  }
0x24: {  	s3 =	sadd.s32 $0x88, s3;
	s6 =	simm.s32 @!p1 $0x1082;
	[sflag:s4] =	ssyncset.s32 $0xFFFFF086  }
0x25: {  	[simem:s6], [sflag:s4] =	dma.local [hbm:s3], $0xF7A  }
0x26: {  	[smem:$0x3F9B] =	sst s1;
	(tag) =	ssettag s2;
	_ =	strace s9  }
0x27: {  	s1 =	sld [smem:$0x3FAB]  }
0x28: {  	s2 =	sld [smem:$0x3FAC]  }
0x29: {  	s4 =	sld [smem:$0x3FAE]  }
0x2a: {  	p0 =	seq.s32 s5, $0x0;
	s5 =	sld [smem:$0x3FAF]  }
0x2b: {  	s6 =	sld [smem:$0x3FB0]  }
0x2c: {  	s7 =	sld [smem:$0x3FB1]  }
0x2d: {  	s3 =	simm.s32 $0x108;
	s8 =	sld [smem:$0x3FB2]  }
0x2e: {  	s3 =	simm.s32 @!p0 $0x1082;
	s9 =	sld [smem:$0x3FB3]  }
0x2f: {  	lr =	sadd.s32 s0, s3;
	s0 =	sld [smem:$0x3FAA]  }
0x30: {  	s3 =	sld [smem:$0x3FAD]  }
0x31: {  	[smem:$0x3FB6] =	sst s10  }
0x32: {  	s10 =	sld [smem:$0x3FB4];
	_ =	sdelay $0x3  }
0x33: {  	p0 =	seq.s32 s10, $0x1;
	s10 =	sld [smem:$0x3FB6];
	_ =	sdelay $0x3  }
0x34: {  	[smem:$0x3FB6] =	sst s10  }
0x35: {  	s10 =	sld [smem:$0x3FB5];
	_ =	sdelay $0x3  }
0x36: {  	p1 =	seq.s32 s10, $0x1;
	s10 =	sld [smem:$0x3FB6];
	_ =	sdelay $0x3  }
0x37: {  	[smem:$0x3FB6] =	sst s10  }
0x38: {  	s10 =	sld [smem:$0x3FB7]  }
0x39: {  	_ = 	snop;
	(pc) =	sbr.ind lr, $3  }
0x3a: {  	_ = 	snop  }
0x3b: {  	_ = 	snop  }
0x3c: {  	p2 =	seq.s32 s10, $0x1;
	s10 =	sld [smem:$0x3FB6]  }
0x3d: {  	_ =	shalt  }
0x3e: {  	_ =	shalt  }
0x3f: {  	_ =	shalt  }
0x40: {  	_ =	shalt  }
0x41: {  	_ =	shalt  }
0x42: {  	_ =	shalt  }
0x43: {  	_ =	shalt  }
0x44: {  	_ =	shalt  }
0x45: {  	_ =	shalt  }
0x46: {  	_ =	shalt  }
0x47: {  	_ =	shalt  }
0x48: {  	_ =	shalt  }
0x49: {  	_ =	shalt  }
0x4a: {  	_ =	shalt  }
0x4b: {  	_ =	shalt  }
0x4c: {  	_ =	shalt  }
0x4d: {  	_ =	shalt  }
0x4e: {  	_ =	shalt  }
0x4f: {  	_ =	shalt  }
0x50: {  	_ =	shalt  }
0x51: {  	_ =	shalt  }
0x52: {  	_ =	shalt  }
0x53: {  	_ =	shalt  }
0x54: {  	_ =	shalt  }
0x55: {  	_ =	shalt  }
0x56: {  	_ =	shalt  }
0x57: {  	_ =	shalt  }
0x58: {  	_ =	shalt  }
0x59: {  	_ =	shalt  }
0x5a: {  	_ =	shalt  }
0x5b: {  	_ =	shalt  }
0x5c: {  	_ =	shalt  }
0x5d: {  	_ =	shalt  }
0x5e: {  	_ =	shalt  }
0x5f: {  	_ =	shalt  }
0x60: {  	_ =	shalt  }
0x61: {  	_ =	shalt  }
0x62: {  	_ =	shalt  }
0x63: {  	_ =	shalt  }
0x64: {  	_ =	shalt  }
0x65: {  	_ =	shalt  }
0x66: {  	_ =	shalt  }
0x67: {  	_ =	shalt  }
0x68: {  	_ =	shalt  }
0x69: {  	_ =	shalt  }
0x6a: {  	_ =	shalt  }
0x6b: {  	_ =	shalt  }
0x6c: {  	_ =	shalt  }
0x6d: {  	_ =	shalt  }
0x6e: {  	_ =	shalt  }
0x6f: {  	_ =	shalt  }
0x70: {  	_ =	shalt  }
0x71: {  	_ =	shalt  }
0x72: {  	_ =	shalt  }
0x73: {  	_ =	shalt  }
0x74: {  	_ =	shalt  }
0x75: {  	_ =	shalt  }
0x76: {  	_ =	shalt  }
0x77: {  	_ =	shalt  }
0x78: {  	_ =	shalt  }
0x79: {  	_ =	shalt  }
0x7a: {  	_ =	shalt  }
0x7b: {  	_ =	shalt  }
0x7c: {  	_ =	shalt  }
0x7d: {  	_ =	shalt  }
0x7e: {  	_ =	shalt  }
0x7f: {  	_ =	shalt  }
0x80: {  	_ =	shalt  }
0x81: {  	_ =	shalt  }
0x82: {  	_ =	shalt  }
0x83: {  	_ =	shalt  }
0x84: {  	_ =	shalt  }
0x85: {  	_ =	shalt  }
0x86: {  	_ =	shalt  }
0x87: {  	_ =	shalt  }
.Lfunc_end0:
.L_simem_size_0:
called_computation_lowered:
.L_overlay_start_0:
0x88: {  	s2 =	sld [smem:$0x3FD9]  }
0x89: {  	s3 =	sld [smem:$0x3FFE];
	_ =	sdelay $0x1  }
0x8a: {  	s1 =	srdreg.scid  }
0x8b: {  	s0 =	sand.u32 $0x1, s1  }
0x8c: {  	s14 =	sshll.u32 s0, $0xA;
	s2 =	sadd.s32 s3, s2  }
0x8d: {  	s2 =	sadd.s32 s2, s14  }
0x8e: {  	[smem:$0x3FC2] =	sst s2  }
0x8f: {  	_ = 	snop  }
0x90: {  	s2 =	sld [smem:$0x3FD0];
	_ =	sdelay $0x2  }
0x91: {  	s15 =	simm.s32 $0xA;
	s4 =	simm.s32 $0x10  }
0x92: {  	[smem:s4], [sflag:s15] =	dma.local [hbm:s2], $0x1  }
0x93: {  	_ =	swait.eq [sflag:s15], $0x1  }
0x94: {  	[sflag:s15] =	ssyncset.done $0x0  }
0x95: {  	[sflag:s15] =	ssyncadd.s32 $0xFFFFFFFF  }
0x96: {  	s16 =	sld [smem:$0x11];
	(tm) =	ssettm $0x1  }
0x97: {  	s17 =	sld [smem:$0x3FFB];
	_ =	sdelay $0x3  }
0x98: {  	_ =	strace s17  }
0x99: {  	s3 =	sld [smem:$0x3FFC];
	_ =	sdelay $0x3  }
0x9a: {  	_ =	strace s3  }
0x9b: {  	s3 =	sld [smem:$0x3FFD];
	_ =	sdelay $0x3  }
0x9c: {  	_ =	strace s3  }
0x9d: {  	_ =	strace $0x8FFFFFFF  }
0x9e: {  	s18 =	sld [smem:$0x3FDB];
	_ =	sdelay $0x1  }
0x9f: {  	s19 =	simm.s32 $_scs_section_size  }
0xa0: {  	s5 =	simm.s32 $_size__tile_overlayer_lowered;
	s6 =	simm.s32 $_tile_overlayer_lowered  }
0xa1: {  	s22 =	simm.s32 $0x1BFF;
	s21 =	sshll.u32 s6, $0x1;
	s3 =	sadd.s32 s19, s18  }
0xa2: {  	s7 =	simm.s32 $0x0;
	s20 =	sshll.u32 s5, $0x1;
	s5 =	sadd.s32 s21, s3  }
0xa3: {  	[timem:s7], [sflag:s22] =	dma.local [hbm:s5], s20  }
0xa4: {  	_ =	swait.ge [sflag:s22], s20  }
0xa5: {  	s4 =	ssub.s32 $0x0, s20;
	[sflag:s22] =	ssyncset.done $0x0  }
0xa6: {  	[sflag:s22] =	ssyncadd.s32 s4;
	_ =	sdelay $0x1  }
0xa7: {  	s23 =	simm.s32 $0x1B8B  }
0xa8: {  	_ =	swait.ge [sflag:s23], $0x1  }
0xa9: {  	[sflag:s23] =	ssyncset.done $0x0  }
0xaa: {  	s25 =	simm.s32 $0x1B8E;
	s24 =	sld [smem:$0x3FFE];
	[sflag:s23] =	ssyncadd.s32 $0xFFFFFFFF  }
0xab: {  	s26 =	simm.s32 $execute0_lowered;
	[smem:$0x3FD2] =	sst s25  }
0xac: {  	s5 =	sshll.u32 s26, $0x1;
	_ =	strace $0x80000046;
	[dreg:$0x1] =	wrdreg $0xFFFFFFFF  }
0xad: {  	s28 =	simm.s32 $_size_execute0_lowered;
	s3 =	sadd.s32 s3, s5;
	[dreg:$0x0] =	wrdreg $0x0  }
0xae: {  	s5 =	sshll.u32 s28, $0x1;
	[dreg:$0x2] =	wrdreg s3  }
0xaf: {  	[dreg:$0x3] =	wrdreg s5  }
0xb0: {  	[dreg:$0x4] =	wrdreg $0xC0  }
0xb1: {  	_ =	task [dreg:s7], $0x5FFFF  }
0xb2: {  	[dreg:$0x1] =	wrdreg $0xFFFFFFFF  }
0xb3: {  	[dreg:$0x0] =	wrdreg $0x60  }
0xb4: {  	[dreg:$0x2] =	wrdreg s24  }
0xb5: {  	[dreg:$0x3] =	wrdreg s16  }
0xb6: {  	[dreg:$0x4] =	wrdreg $0x9  }
0xb7: {  	_ =	task.clear_ibuf [dreg:s7], $0x5FFFF;
	_ =	strace $0x90000046  }
0xb8: {  	s29 =	simm.s32 $0x9;
	_ =	strace $0x80000048  }
0xb9: {  	_ =	swait.ge [sflag:s29], $0x1  }
0xba: {  	[sflag:s29] =	ssyncadd.s32 $0xFFFFFFFF  }
0xbb: {  	_ =	strace $0x90000048  }
0xbc: {  	_ =	sfence  }
0xbd: {  	s30 =	sld [smem:$0x0];
	_ =	sdelay $0x2  }
0xbe: {  	s31 =	sshll.u32 s1, $0xD;
	s1 =	sshrl.u32 s1, $0x2  }
0xbf: {  	s3 =	sand.u32 $0x4000, s31;
	s1 =	sadd.s32 s1, s30  }
0xc0: {  	s0 =	sor.u32 s3, s0;
	s1 =	sshll.u32 s1, $0x11  }
0xc1: {  	s0 =	sor.u32 s1, s0  }
0xc2: {  	s0 =	sadd.s32 $0x8F2B, s0  }
0xc3: {  	[sflag:s0] =	ssyncadd.remote.s32 $0x1  }
0xc4: {  	_ =	sfence.sel $0xFFFF  }
0xc5: {  	[dreg:$0x0] =	wrdreg $0xFFFFFFFF;
	(pc) =	sbr.abs _section_cstart, $3  }
0xc6: {  	[dreg:$0x1] =	wrdreg $0xFFFFFFFF  }
0xc7: {  	_ =	task.clear_ibuf [dreg:s7], $0x2FFFF;
	_ =	strace $0x9FFFFFFF  }
0xc8: {  	(tm) =	ssettm $0x7FFFFFFF  }
0xc9: {  	_ =	shalt  }
tec
execute0_lowered:
.L_overlay_start_1:
0x0: {  	(tag) =	ssettag $0x1  }
0x1: {  	s0 =	srdreg.scid  }
0x2: {  	s6 =	sand.u32 $0x1, s0;
	s0 =	stileid.u32  }
0x3: {  	s4 =	sshll.u32 s6, $0x4;
	s5 =	ssub.s32 $0x0, s0  }
0x4: {  	p0 =	sne.s32 s4, s5  }
.Ltmp0:
0x5: {  	_ = 	snop;
	(pc) =	sbr.rel @p0 .LBB2_4-.Ltmp0, $4  }
0x6: {  	_ = 	snop  }
0x7: {  	s3 =	rddreg [dreg:$0x0]  }
0x8: {  	s2 =	rddreg [dreg:$0x1]  }
0x9: {  	s1 =	rddreg [dreg:$0x2];
	_ =	strace $0x80000047  }
0xa: {  	s5 =	sadd.s32 $0xC00, s3;
	s4 =	simm.s32 $0x0;
	s3 =	simm.s32 $0x1  }
0xb: {  	[tilespmem:s4], [sflag:$0x1] =	stream.linear.gather [hbm4b:s5+s4], $0x200, $0x38;
	[tilespmem:$0x280] =	vst v63  }
0xc: {  	_ =	swait.ge [sflag:s3], $0x200  }
0xd: {  	[sflag:s3] =	ssyncset.done $0x0  }
0xe: {  	[sflag:s3] =	ssyncadd.s32 $0xFFFFFE00  }
0xf: {  	v1 =	vld [tilespmem:$0x0]  }
0x10: {  	v2 =	vld [tilespmem:$0x80];
	_ =	sdelay $0x1  }
0x11: {  	v3 =	vld [tilespmem:$0x100];
	_ =	sdelay $0x1  }
0x12: {  	v4 =	vld [tilespmem:$0x180];
	v5 =	vadd.f32 $0.0e+00, v1  }
0x13: {  	v0 =	vimm.f32 $0.0e+00;
	vm0 =	vgt.f32 v1, $0.0e+00;
	vm1 =	vgt.f32 v2, $0.0e+00  }
0x14: {  	v1 =	vsel vm0, $0x3F800000, v0;
	v62 =	vsel vm1, $0x3F800000, v0;
	v2 =	vadd.f32 v2, v5  }
0x15: {  	vm0 =	vgt.f32 v3, $0.0e+00;
	v1 =	vadd.f32 v62, v1  }
0x16: {  	v63 =	vsel vm0, $0x3F800000, v0;
	v2 =	vadd.f32 v3, v2  }
0x17: {  	vm0 =	vgt.f32 v4, $0.0e+00;
	v1 =	vadd.f32 v63, v1  }
0x18: {  	v3 =	vsel vm0, $0x3F800000, v0;
	v2 =	vadd.f32 v4, v2  }
0x19: {  	v1 =	vadd.f32 v3, v1  }
0x1a: {  	(xrf2) =	vadd.scan.msk.f32 $0xffff, v2  }
0x1b: {  	(xrf2) =	vadd.scan.msk.f32 $0xffff, v1;
	_ =	sdelay $0x8  }
0x1c: {  	v3, _, _ =	vpop (xrf2)  }
0x1d: {  	(v2sf) =	vpush v3, $0xF;
	v3, _, _ =	vpop (xrf2)  }
0x1e: {  	(v2sf) =	vpush v3, $0xF;
	_ =	sdelay $0xd  }
0x1f: {  	s7 =	spop (v2sf)  }
0x20: {  	s7 =	smul.f32 $1.250000000e-01, s7;
	s8 =	spop (v2sf)  }
0x21: {  	s8 =	smul.f32 $1.250000000e-01, s8  }
0x22: {  	v3 =	vmov s7  }
0x23: {  	v2 =	vsub.f32 v2, v3;
	v3 =	vmov s8  }
0x24: {  	vm0 =	vmmov $0xff;
	v1 =	vsub.f32 v1, v3  }
0x25: {  	v2 =	vnsel vm0, $0x0, v2  }
0x26: {  	v2 =	vmul.f32 v2, v2;
	v1 =	vnsel vm0, $0x0, v1  }
0x27: {  	v1 =	vmul.f32 v1, v1  }
0x28: {  	(xrf2) =	vadd.scan.msk.f32 $0xffff, v2  }
0x29: {  	(xrf2) =	vadd.scan.msk.f32 $0xffff, v1;
	_ =	sdelay $0x8  }
0x2a: {  	v1, _, _ =	vpop (xrf2)  }
0x2b: {  	(v2sf) =	vpush v1, $0xF;
	v1, _, _ =	vpop (xrf2)  }
0x2c: {  	s8 =	smul.f32 s8, s8;
	(v2sf) =	vpush v1, $0xF  }
0x2d: {  	s7 =	smul.f32 s7, s7  }
0x2e: {  	v1 =	vmov s8  }
0x2f: {  	v2 =	vmov s7;
	v1 =	vadd.f32 $1.000000010e-10, v1  }
0x30: {  	v2 =	vadd.f32 $1.000000010e-10, v2  }
0x31: {  	v1 =	vbroadcast v1, $0x0  }
0x32: {  	v2 =	vbroadcast v2, $0x0  }
0x33: {  	(erf) = vrcp.f32 v1  }
0x34: {  	(erf) = vrcp.f32 v2;
	_ =	sdelay $0x5  }
0x35: {  	s29 =	spop (v2sf)  }
0x36: {  	s6 =	ssub.s32 $0x2, s6;
	s7 =	smul.f32 $1.428571490e-01, s29;
	s30 =	spop (v2sf)  }
0x37: {  	s31 =	sshrl.u32 s6, $0x1;
	v1 =	vpop (erf);
	s8 =	smul.f32 $1.428571490e-01, s30  }
0x38: {  	s6 =	ssub.s32 s6, s31;
	v2 =	vpop (erf)  }
0x39: {  	v2 =	vmul.f32 s7, v2;
	s7 =	smax.u32 s6, $0x1;
	v1 =	vmul.f32 s8, v1  }
0x3a: {  	p0 =	sne.s32 s7, $0x1  }
.Ltmp1:
0x3b: {  	v1 =	vadd.f32 v1, v2;
	(pc) =	sbr.rel @!p0 .LBB2_3-.Ltmp1, $3  }
0x3c: {  	_ = 	snop  }
0x3d: {  	v1 =	vmul.f32 $9.999999770e-03, v1;
	_ =	sdelay $0x1  }
0x3e: {  	s6 =	simm.s32 $0x200;
	s7 =	sadd.s32 $0xFFFFFFFF, s7;
	[tilespmem:$0x200] =	vst v1  }
.LBB2_2:
0x3f: {  	[hbm4b:s2+s4] =	stream.linear.scatter [tilespmem:s6], [sflag:$0x1], $0x80, $0x38;
	[tilespmem:$0x280] =	vst v63  }
0x40: {  	p0 =	sne.s32 s7, $0x1;
	s7 =	sadd.s32 $0xFFFFFFFF, s7;
	_ =	swait.ge [sflag:s3], $0x80  }
0x41: {  	[sflag:s3] =	ssyncset.done $0x0  }
0x42: {  	[sflag:s3] =	ssyncadd.s32 $0xFFFFFF80  }
0x43: {  	[tilespmem:s4], [sflag:$0x1] =	stream.linear.gather [hbm4b:s5+s4], $0x200, $0x38;
	[tilespmem:$0x280] =	vst v63  }
0x44: {  	_ =	swait.ge [sflag:s3], $0x200  }
0x45: {  	[sflag:s3] =	ssyncset.done $0x0  }
0x46: {  	[sflag:s3] =	ssyncadd.s32 $0xFFFFFE00  }
0x47: {  	v1 =	vld [tilespmem:$0x0]  }
0x48: {  	v2 =	vld [tilespmem:$0x80]  }
0x49: {  	v3 =	vld [tilespmem:$0x100];
	_ =	sdelay $0x1  }
0x4a: {  	v4 =	vld [tilespmem:$0x180]  }
0x4b: {  	v5 =	vadd.f32 $0.0e+00, v1;
	vm1 =	vgt.f32 v1, $0.0e+00  }
0x4c: {  	v1 =	vsel vm1, $0x3F800000, v0;
	vm1 =	vgt.f32 v2, $0.0e+00  }
0x4d: {  	v2 =	vadd.f32 v2, v5;
	v5 =	vsel vm1, $0x3F800000, v0;
	vm1 =	vgt.f32 v3, $0.0e+00  }
0x4e: {  	v1 =	vadd.f32 v5, v1;
	v5 =	vsel vm1, $0x3F800000, v0  }
0x4f: {  	v2 =	vadd.f32 v3, v2;
	vm1 =	vgt.f32 v4, $0.0e+00  }
0x50: {  	v1 =	vadd.f32 v5, v1;
	v3 =	vsel vm1, $0x3F800000, v0  }
0x51: {  	v2 =	vadd.f32 v4, v2  }
0x52: {  	v1 =	vadd.f32 v3, v1  }
0x53: {  	(xrf2) =	vadd.scan.msk.f32 $0xffff, v2;
	_ =	sdelay $0x2  }
0x54: {  	(xrf2) =	vadd.scan.msk.f32 $0xffff, v1;
	_ =	sdelay $0x6  }
0x55: {  	v3, _, _ =	vpop (xrf2)  }
0x56: {  	(v2sf) =	vpush v3, $0xF;
	_ =	sdelay $0x1  }
0x57: {  	v3, _, _ =	vpop (xrf2)  }
0x58: {  	(v2sf) =	vpush v3, $0xF;
	_ =	sdelay $0xb  }
0x59: {  	s8 =	spop (v2sf)  }
0x5a: {  	s8 =	smul.f32 $1.250000000e-01, s8;
	_ =	sdelay $0x1  }
0x5b: {  	v3 =	vmov s8;
	s8 =	smul.f32 s8, s8;
	s9 =	spop (v2sf)  }
0x5c: {  	v2 =	vsub.f32 v2, v3;
	s9 =	smul.f32 $1.250000000e-01, s9  }
0x5d: {  	v3 =	vmov s8  }
0x5e: {  	v2 =	vnsel vm0, $0x0, v2;
	v3 =	vadd.f32 $1.000000010e-10, v3;
	v4 =	vmov s9;
	s8 =	smul.f32 s9, s9  }
0x5f: {  	v2 =	vmul.f32 v2, v2;
	v1 =	vsub.f32 v1, v4  }
0x60: {  	v3 =	vbroadcast v3, $0x0;
	v4 =	vmov s8  }
0x61: {  	v1 =	vnsel vm0, $0x0, v1;
	v4 =	vadd.f32 $1.000000010e-10, v4;
	(xrf2) =	vadd.scan.msk.f32 $0xffff, v2  }
0x62: {  	v1 =	vmul.f32 v1, v1  }
0x63: {  	v2 =	vbroadcast v4, $0x0  }
0x64: {  	(xrf2) =	vadd.scan.msk.f32 $0xffff, v1;
	_ =	sdelay $0x6  }
0x65: {  	v1, _, _ =	vpop (xrf2)  }
0x66: {  	(v2sf) =	vpush v1, $0xF;
	_ =	sdelay $0x1  }
0x67: {  	v1, _, _ =	vpop (xrf2)  }
0x68: {  	(v2sf) =	vpush v1, $0xF;
	_ =	sdelay $0x4  }
0x69: {  	(erf) = vrcp.f32 v2;
	_ =	sdelay $0x1  }
0x6a: {  	(erf) = vrcp.f32 v3;
	_ =	sdelay $0x4  }
0x6b: {  	s8 =	spop (v2sf)  }
0x6c: {  	s8 =	smul.f32 $1.428571490e-01, s8  }
0x6d: {  	v1 =	vpop (erf)  }
0x6e: {  	s9 =	spop (v2sf)  }
0x6f: {  	s9 =	smul.f32 $1.428571490e-01, s9;
	v2 =	vpop (erf)  }
0x70: {  	v2 =	vmul.f32 s8, v2  }
0x71: {  	v1 =	vmul.f32 s9, v1;
	_ =	sdelay $0x1  }
.Ltmp2:
0x72: {  	v1 =	vadd.f32 v1, v2;
	(pc) =	sbr.rel @p0 .LBB2_2-.Ltmp2, $3  }
0x73: {  	_ = 	snop  }
0x74: {  	v1 =	vmul.f32 $9.999999770e-03, v1;
	_ =	sdelay $0x1  }
0x75: {  	[tilespmem:$0x200] =	vst v1  }
.LBB2_3:
0x76: {  	[hbm4b:s2+s4] =	stream.linear.scatter [tilespmem:s6], [sflag:$0x1], $0x80, $0x38;
	[tilespmem:$0x280] =	vst v63  }
0x77: {  	_ =	swait.ge [sflag:s3], $0x80  }
0x78: {  	[sflag:s3] =	ssyncset.done $0x0  }
0x79: {  	[sflag:s3] =	ssyncadd.s32 $0xFFFFFF80  }
.LBB2_4:
0x7a: {  	_ =	sfence.sel $0x180000  }
0x7b: {  	[bflag:$0x0] =	sbarrier.arrive $0xFFFF  }
0x7c: {  	p0 =	sne.s32 s0, $0x0;
	_ =	strace $0x90000047  }
0x7d: {  	s0 =	sadd.s32 @!p0 $0x100000, s1;
	[bflag:$0x2] =	sbarrier.arrive $0xFFFF  }
0x7e: {  	[sflag:s0] =	ssyncadd.tile.s32 @!p0 $0x1;
	_ =	shalt  }
.Lfunc_end2:
_tile_overlayer_lowered:
.L_overlay_start_2:
0x7f: {  	(tag) =	ssettag $0x2  }
0x80: {  	s0 =	rddreg [dreg:$0x0];
	s2 =	stileid.u32  }
0x81: {  	s1 =	rddreg [dreg:$0x1];
	p0 =	sne.s32 s2, $0x0  }
0x82: {  	s3 =	rddreg [dreg:$0x2];
	[bflag:$0x3] =	sbarrier.arrive $0xFFFF;
	s2 =	simm.s32 @!p0 $0x1C01  }
0x83: {  	[timem:s3], [sflag:s2] =	dma.local @!p0 [hbm:s0], s1  }
0x84: {  	s0 =	simm.s32 @!p0 $0x1  }
0x85: {  	_ =	swait.ge @!p0 [sflag:s0], s1  }
0x86: {  	s1 =	ssub.s32 @!p0 $0x0, s1;
	[sflag:s0] =	ssyncset.done @!p0 $0x0  }
0x87: {  	[sflag:s0] =	ssyncadd.s32 @!p0 s1  }
0x88: {  	[bflag:$0x3] =	sbarrier.arrive $0xFFFF  }
0x89: {  	_ =	shalt  }

</sc_bundles>
